<compile_context>
chip_gen: v7x
topology: tpu7x:2x2x1
jax: 0.10.2.dev20260603
libtpu: 0.0.44.dev20260713+nightly
codegen_flags: <defaults>
</compile_context>

<pallas_src>
import jax
import jax.numpy as jnp
from jax.experimental import pallas as pl

_B, _C, _F, _H, _W = 8, 3, 64, 128, 128
_BC = _B * _C
_HW = _H * _W
_KEEP = 32


def _pool_body(x_ref, cw_ref, out_ref, outc_ref):
    i = pl.program_id(0)
    x = x_ref[0]
    s = jnp.sum(x, axis=-1) * (1.0 / _HW)
    prod = jax.lax.dot(cw_ref[...].astype(jnp.bfloat16),
                       x.astype(jnp.bfloat16),
                       preferred_element_type=jnp.float32)
    sc = jnp.sum(prod, axis=-1) * (1.0 / _HW)
    out_ref[pl.ds(i, 1), :] = s.reshape(1, _F)
    outc_ref[pl.ds(i, 1), :] = sc.reshape(1, _F)


def _score_body(pooled_ref, xcv_ref, conv_b_ref, fc_wT_ref,
                fc_b_ref, M1_ref, b1_ref, GG_ref, Mr_ref, br_ref, Ml_ref,
                bl_ref, gamr_ref, betr_ref, A8_ref, B8_ref, P_ref, Q_ref,
                a_ref, mask_ref):
    hi = jax.lax.Precision.HIGHEST
    bf = jnp.bfloat16
    f32 = jnp.float32

    def dot(a, b):
        return jax.lax.dot(a, b, precision=hi)

    def dotb(a, b):
        return jax.lax.dot(a.astype(bf), b.astype(bf),
                           preferred_element_type=f32)

    p = pooled_ref[...]
    x_conv = xcv_ref[...] + conv_b_ref[...]
    scores = jax.nn.sigmoid(dotb(x_conv, fc_wT_ref[...]) + fc_b_ref[...])

    r8 = dot(p, A8_ref[...])
    c8 = dot(p, B8_ref[...])
    xr0 = dotb(M1_ref[...], r8) + b1_ref[...]
    xc0 = dotb(M1_ref[...], c8) + b1_ref[...]

    rs = jnp.sum(xr0, axis=1, keepdims=True) + jnp.sum(xc0, axis=1, keepdims=True)
    mur = dot(GG_ref[...], rs) * (1.0 / 128.0)
    dr = xr0 - mur
    dc = xc0 - mur
    rs2 = (jnp.sum(dr * dr, axis=1, keepdims=True)
           + jnp.sum(dc * dc, axis=1, keepdims=True))
    varr = dot(GG_ref[...], rs2) * (1.0 / 128.0)
    inv = gamr_ref[...] / jnp.sqrt(varr + 1e-5)
    sr = jax.nn.sigmoid(dr * inv + betr_ref[...])
    sc = jax.nn.sigmoid(dc * inv + betr_ref[...])

    ar = jax.nn.sigmoid(dotb(Mr_ref[...], sr) + br_ref[...])
    al = jax.nn.sigmoid(dotb(Ml_ref[...], sc) + bl_ref[...])
    att = dot(ar, P_ref[...]) * dot(al, Q_ref[...])

    a = a_ref[0, 0]
    fin = a * att + (1.0 - a) * scores

    ff = fin[:, :, None]
    fg = fin[:, None, :]
    io_f = jax.lax.broadcasted_iota(jnp.int32, (_BC, _F, _F), 1)
    io_g = jax.lax.broadcasted_iota(jnp.int32, (_BC, _F, _F), 2)
    beats = (fg > ff) | ((fg == ff) & (io_g < io_f))
    cnt = jnp.sum(beats.astype(jnp.float32), axis=2)
    mask_ref[...] = (cnt < float(_KEEP)).astype(jnp.float32)


def _mul_body(x_ref, m_ref, o1_ref, o2_ref):
    o1_ref[...] = x_ref[...] * m_ref[...]
    o2_ref[...] = jnp.zeros_like(o2_ref)


def kernel(x_freq, conv_w, conv_b, conv1_w, conv1_b, convr_w, convr_b,
           convl_w, convl_b, bn_gamma, bn_beta, fc_w, fc_b, a_param):
    f32 = jnp.float32
    xf = x_freq.reshape(_BC, _F, _HW)

    pooled, xconv = pl.pallas_call(
        _pool_body,
        grid=(_BC,),
        in_specs=[pl.BlockSpec((1, _F, _HW), lambda i: (i, 0, 0)),
                  pl.BlockSpec((_F, _F), lambda i: (0, 0))],
        out_specs=[pl.BlockSpec((_BC, _F), lambda i: (0, 0)),
                   pl.BlockSpec((_BC, _F), lambda i: (0, 0))],
        out_shape=[jax.ShapeDtypeStruct((_BC, _F), f32),
                   jax.ShapeDtypeStruct((_BC, _F), f32)],
    )(xf, conv_w)

    eyeB = jnp.eye(_B, dtype=f32)
    M1 = jnp.kron(eyeB, conv1_w)
    Mr = jnp.kron(eyeB, convr_w)
    Ml = jnp.kron(eyeB, convl_w)
    b1 = jnp.tile(conv1_b, _B).reshape(_BC, 1)
    br = jnp.tile(convr_b, _B).reshape(_BC, 1)
    bl = jnp.tile(convl_b, _B).reshape(_BC, 1)
    gamr = jnp.tile(bn_gamma, _B).reshape(_BC, 1)
    betr = jnp.tile(bn_beta, _B).reshape(_BC, 1)
    ch = jnp.arange(_BC) % _C
    GG = (ch[:, None] == ch[None, :]).astype(f32)
    q8 = jnp.arange(_F, dtype=jnp.int32)
    A8 = ((q8[:, None] // 8) == jnp.arange(8)[None, :]).astype(f32) / 8.0
    B8 = ((q8[:, None] % 8) == jnp.arange(8)[None, :]).astype(f32) / 8.0
    P = (jnp.arange(8)[:, None] == (q8[None, :] // 8)).astype(f32)
    Q = (jnp.arange(8)[:, None] == (q8[None, :] % 8)).astype(f32)

    mask = pl.pallas_call(
        _score_body,
        out_shape=jax.ShapeDtypeStruct((_BC, _F), f32),
    )(pooled, xconv, conv_b.reshape(1, _F), fc_w.T, fc_b.reshape(1, _F),
      M1, b1, GG, Mr, br, Ml, bl, gamr, betr, A8, B8, P, Q,
      jnp.asarray(a_param, f32).reshape(1, 1))

    mask3 = mask.reshape(_BC, _F, 1)
    out1, out2 = pl.pallas_call(
        _mul_body,
        grid=(_BC,),
        in_specs=[pl.BlockSpec((1, _F, _HW), lambda i: (i, 0, 0)),
                  pl.BlockSpec((1, _F, 1), lambda i: (i, 0, 0))],
        out_specs=[pl.BlockSpec((1, _F, _HW), lambda i: (i, 0, 0)),
                   pl.BlockSpec((1, _F, _HW), lambda i: (i, 0, 0))],
        out_shape=[jax.ShapeDtypeStruct((_BC, _F, _HW), f32),
                   jax.ShapeDtypeStruct((_BC, _F, _HW), f32)],
    )(xf, mask3)

    shape5 = (_B, _C, _F, _H, _W)
    return (out1.reshape(shape5), out2.reshape(shape5))

# --- scband reference (transcript-rebuilt; emitter-appended) ---
"""Pipeline reference for scband-dynamic-channel-pruner-7748121002466 (READ-ONLY COPY).

The authoritative reference and input builder live on the scoring server;
editing this copy changes nothing except your own understanding.
"""

import jax, jax.numpy as jnp
import numpy as np

B, C, F, H, W = 8, 3, 64, 128, 128
NUM_KEEP = 32


def setup_inputs(seed: int = 0) -> dict:
    key = jax.random.key(seed)
    ks = jax.random.split(key, 8)
    inp = {
        "x_freq": jax.random.normal(ks[0], (B, C, F, H, W), dtype=jnp.float32),
        "conv_w": jax.random.normal(ks[1], (F, F), dtype=jnp.float32) * 0.05,
        "conv_b": jnp.zeros((F,), dtype=jnp.float32),
        "conv1_w": jax.random.normal(ks[2], (3, 3), dtype=jnp.float32) * 0.3,
        "conv1_b": jnp.zeros((3,), dtype=jnp.float32),
        "convr_w": jax.random.normal(ks[3], (3, 3), dtype=jnp.float32) * 0.3,
        "convr_b": jnp.zeros((3,), dtype=jnp.float32),
        "convl_w": jax.random.normal(ks[4], (3, 3), dtype=jnp.float32) * 0.3,
        "convl_b": jnp.zeros((3,), dtype=jnp.float32),
        "bn_gamma": jnp.ones((3,), dtype=jnp.float32),
        "bn_beta": jnp.zeros((3,), dtype=jnp.float32),
        "fc_w": jax.random.normal(ks[5], (F, F), dtype=jnp.float32) * 0.05,
        "fc_b": jnp.zeros((F,), dtype=jnp.float32),
        "a_param": jnp.float32(0.5),
    }
    return inp


def _forward(x_freq, conv_w, conv_b, conv1_w, conv1_b, convr_w, convr_b,
             convl_w, convl_b, bn_gamma, bn_beta, fc_w, fc_b, a_param):
    b, c, f, h, w = x_freq.shape
    # AdaptiveAvgPool2d(1) over (h, w)
    x_pooled = jnp.mean(x_freq, axis=(3, 4))  # [b, c, f]
    # 1x1 conv over f channels, then global pool
    x_conv = jnp.einsum('bcfhw,gf->bcghw', x_freq, conv_w) + conv_b[None, None, :, None, None]
    x_conv = jnp.mean(x_conv, axis=(3, 4))  # [b, c, f]
    scores = jax.nn.sigmoid(jnp.einsum('bcf,gf->bcg', x_conv, fc_w) + fc_b)  # [b, c, f]
    x2 = x_pooled.reshape(b, c, 8, 8)
    x_row = jnp.mean(x2, axis=3, keepdims=True)          # row_pool -> [b, c, 8, 1]
    x_row = jnp.transpose(x_row, (0, 1, 3, 2))           # [b, c, 1, 8]
    x_col = jnp.mean(x2, axis=2, keepdims=True)          # col_pool -> [b, c, 1, 8]
    xrc = jnp.concatenate([x_row, x_col], axis=2)        # [b, c, 2, 8]
    xrc = jnp.einsum('bchw,dc->bdhw', xrc, conv1_w) + conv1_b[None, :, None, None]
    # BatchNorm2d in training mode: batch statistics over (N, H, W)
    mu = jnp.mean(xrc, axis=(0, 2, 3), keepdims=True)
    var = jnp.var(xrc, axis=(0, 2, 3), keepdims=True)
    xrc = (xrc - mu) / jnp.sqrt(var + 1e-5) * bn_gamma[None, :, None, None] + bn_beta[None, :, None, None]
    xrc = jax.nn.sigmoid(xrc)
    x_r = xrc[:, :, 0:1, :]                              # [b, c, 1, 8]
    x_l = xrc[:, :, 1:2, :]                              # [b, c, 1, 8]
    x_r = jnp.transpose(x_r, (0, 1, 3, 2))               # [b, c, 8, 1]
    a_r = jax.nn.sigmoid(jnp.einsum('bchw,dc->bdhw', x_r, convr_w) + convr_b[None, :, None, None])
    a_l = jax.nn.sigmoid(jnp.einsum('bchw,dc->bdhw', x_l, convl_w) + convl_b[None, :, None, None])
    x_att = jnp.matmul(a_r, a_l).reshape(b, c, -1)       # [b, c, 64]
    final_scores = a_param * x_att + (1.0 - a_param) * scores
    top_vals, top_idx = jax.lax.top_k(final_scores, NUM_KEEP)  # sorted descending
    # scatter-set mask[i, j, top_idx[i, j]] = 1 (indices unique per row)
    mask = jnp.sum(jax.nn.one_hot(top_idx, f, dtype=x_freq.dtype), axis=2)  # [b, c, f]
    x_pruned = x_freq * mask[:, :, :, None, None]
    # top_indices[i, j][num_keep:] is an EMPTY slice (top_idx has length num_keep),
    # so mask_2k stays all-zeros, faithful to the torch code.
    mask_2k = jnp.zeros_like(scores)
    x_pruned_2k = x_freq * mask_2k[:, :, :, None, None]
    return (x_pruned, x_pruned_2k)


def reference(x_freq, conv_w, conv_b, conv1_w, conv1_b, convr_w, convr_b,
              convl_w, convl_b, bn_gamma, bn_beta, fc_w, fc_b, a_param):
    return _forward(x_freq, conv_w, conv_b, conv1_w, conv1_b, convr_w, convr_b,
                    convl_w, convl_b, bn_gamma, bn_beta, fc_w, fc_b, a_param)

if __name__ == "__main__":
    import jax
    _d = setup_inputs()
    print(jax.jit(kernel)(*tuple(_d.values())))

</pallas_src>

<mosaic_0001>
module attributes {stable_mosaic.version = 14 : i64} {
  func.func @_pool_body(%arg0: i32, %arg1: memref<1x64x16384xf32, #tpu.memory_space<vmem>>, %arg2: memref<64x64xf32, #tpu.memory_space<vmem>>, %arg3: memref<24x64xf32, #tpu.memory_space<vmem>>, %arg4: memref<24x64xf32, #tpu.memory_space<vmem>>) attributes {dimension_semantics = [#tpu.dimension_semantics<arbitrary>], iteration_bounds = array<i64: 24>, scalar_prefetch = 0 : i64, scratch_operands = 0 : i64, tpu.core_type = #tpu.core_type<tc>, window_params = [{transform_indices = @transform_0, window_bounds = array<i64: 1, 64, 16384>}, {pipeline_mode = #tpu.pipeline_mode<synchronous>, transform_indices = @transform_1, window_bounds = array<i64: 64, 64>}, {pipeline_mode = #tpu.pipeline_mode<synchronous>, transform_indices = @transform_2, window_bounds = array<i64: 24, 64>}, {pipeline_mode = #tpu.pipeline_mode<synchronous>, transform_indices = @transform_3, window_bounds = array<i64: 24, 64>}]} {
    %get3A = arith.constant 0 : index
    %get3A_0 = arith.constant 0 : index
    %get3A_1 = arith.constant 0 : index
    %get3A_2 = vector.load %arg1[%get3A, %get3A_0, %get3A_1] : memref<1x64x16384xf32, #tpu.memory_space<vmem>>, vector<1x64x16384xf32>
    %get3A_3 = vector.shape_cast %get3A_2 : vector<1x64x16384xf32> to vector<64x16384xf32>
    %reduce_sum3A = arith.constant dense<0.000000e+00> : vector<64xf32>
    %reduce_sum3A_4 = vector.multi_reduction <add>, %get3A_3, %reduce_sum3A [1] : vector<64x16384xf32> to vector<64xf32>
    %mul3A = arith.constant 6.10351563E-5 : f32
    %mul3A_5 = vector.broadcast %mul3A : f32 to vector<64xf32>
    %mul3A_6 = arith.mulf %reduce_sum3A_4, %mul3A_5 : vector<64xf32>
    %get3A_7 = arith.constant 0 : index
    %get3A_8 = arith.constant 0 : index
    %get3A_9 = vector.load %arg2[%get3A_7, %get3A_8] : memref<64x64xf32, #tpu.memory_space<vmem>>, vector<64x64xf32>
    %convert_element_type3A = arith.truncf %get3A_9 : vector<64x64xf32> to vector<64x64xbf16>
    %convert_element_type3A_10 = arith.truncf %get3A_3 : vector<64x16384xf32> to vector<64x16384xbf16>
    %dot_general3A = arith.constant dense<0.000000e+00> : vector<64x16384xf32>
    %dot_general3A_11 = tpu.matmul %convert_element_type3A, %convert_element_type3A_10, %dot_general3A {dimension_numbers = #tpu.dot_dimension_numbers<[1], [0], [0], [1], [0, 0, 1, 1], [], []>, transpose_lhs_hint = false} : vector<64x64xbf16>, vector<64x16384xbf16>, vector<64x16384xf32> -> vector<64x16384xf32>
    %reduce_sum3A_12 = arith.constant dense<0.000000e+00> : vector<64xf32>
    %reduce_sum3A_13 = vector.multi_reduction <add>, %dot_general3A_11, %reduce_sum3A_12 [1] : vector<64x16384xf32> to vector<64xf32>
    %mul3A_14 = arith.constant 6.10351563E-5 : f32
    %mul3A_15 = vector.broadcast %mul3A_14 : f32 to vector<64xf32>
    %mul3A_16 = arith.mulf %reduce_sum3A_13, %mul3A_15 : vector<64xf32>
    %reshape3A = vector.shape_cast %mul3A_6 : vector<64xf32> to vector<1x64xf32>
    %swap3A = arith.index_cast %arg0 : i32 to index
    %swap3A_17 = arith.constant 0 : index
    %swap3A_18 = vector.load %arg3[%swap3A, %swap3A_17] : memref<24x64xf32, #tpu.memory_space<vmem>>, vector<1x64xf32>
    tpu.vector_store %arg3[%swap3A, %swap3A_17], %reshape3A {strides = array<i32>} : memref<24x64xf32, #tpu.memory_space<vmem>>, vector<1x64xf32>,
    %reshape3A_19 = vector.shape_cast %mul3A_16 : vector<64xf32> to vector<1x64xf32>
    %swap3A_20 = arith.index_cast %arg0 : i32 to index
    %swap3A_21 = arith.constant 0 : index
    %swap3A_22 = vector.load %arg4[%swap3A_20, %swap3A_21] : memref<24x64xf32, #tpu.memory_space<vmem>>, vector<1x64xf32>
    tpu.vector_store %arg4[%swap3A_20, %swap3A_21], %reshape3A_19 {strides = array<i32>} : memref<24x64xf32, #tpu.memory_space<vmem>>, vector<1x64xf32>,
    return
  }
  func.func @transform_0(%arg0: i32) -> (i32, i32, i32) {
    %c0_i32 = arith.constant 0 : i32
    %c0_i32_0 = arith.constant 0 : i32
    %c0_i32_1 = arith.constant 0 : i32
    return %arg0, %c0_i32, %c0_i32_0 : i32, i32, i32
  }
  func.func @transform_1(%arg0: i32) -> (i32, i32) {
    %c0_i32 = arith.constant 0 : i32
    %c0_i32_0 = arith.constant 0 : i32
    %c0_i32_1 = arith.constant 0 : i32
    return %c0_i32, %c0_i32_0 : i32, i32
  }
  func.func @transform_2(%arg0: i32) -> (i32, i32) {
    %c0_i32 = arith.constant 0 : i32
    %c0_i32_0 = arith.constant 0 : i32
    %c0_i32_1 = arith.constant 0 : i32
    return %c0_i32, %c0_i32_0 : i32, i32
  }
  func.func @transform_3(%arg0: i32) -> (i32, i32) {
    %c0_i32 = arith.constant 0 : i32
    %c0_i32_0 = arith.constant 0 : i32
    %c0_i32_1 = arith.constant 0 : i32
    return %c0_i32, %c0_i32_0 : i32, i32
  }
}

module attributes {stable_mosaic.version = 14 : i64} {
  func.func @_score_body(%arg0: memref<24x64xf32, #tpu.memory_space<vmem>>, %arg1: memref<24x64xf32, #tpu.memory_space<vmem>>, %arg2: memref<1x64xf32, #tpu.memory_space<vmem>>, %arg3: memref<64x64xf32, #tpu.memory_space<vmem>>, %arg4: memref<1x64xf32, #tpu.memory_space<vmem>>, %arg5: memref<24x24xf32, #tpu.memory_space<vmem>>, %arg6: memref<24x1xf32, #tpu.memory_space<vmem>>, %arg7: memref<24x24xf32, #tpu.memory_space<vmem>>, %arg8: memref<24x24xf32, #tpu.memory_space<vmem>>, %arg9: memref<24x1xf32, #tpu.memory_space<vmem>>, %arg10: memref<24x24xf32, #tpu.memory_space<vmem>>, %arg11: memref<24x1xf32, #tpu.memory_space<vmem>>, %arg12: memref<24x1xf32, #tpu.memory_space<vmem>>, %arg13: memref<24x1xf32, #tpu.memory_space<vmem>>, %arg14: memref<64x8xf32, #tpu.memory_space<vmem>>, %arg15: memref<64x8xf32, #tpu.memory_space<vmem>>, %arg16: memref<8x64xf32, #tpu.memory_space<vmem>>, %arg17: memref<8x64xf32, #tpu.memory_space<vmem>>, %arg18: memref<1x1xf32, #tpu.memory_space<vmem>>, %arg19: memref<24x64xf32, #tpu.memory_space<vmem>>) attributes {dimension_semantics = [], scalar_prefetch = 0 : i64, scratch_operands = 0 : i64, tpu.core_type = #tpu.core_type<tc>} {
    %get3A = arith.constant 0 : index
    %get3A_0 = arith.constant 0 : index
    %get3A_1 = vector.load %arg0[%get3A, %get3A_0] : memref<24x64xf32, #tpu.memory_space<vmem>>, vector<24x64xf32>
    %get3A_2 = arith.constant 0 : index
    %get3A_3 = arith.constant 0 : index
    %get3A_4 = vector.load %arg1[%get3A_2, %get3A_3] : memref<24x64xf32, #tpu.memory_space<vmem>>, vector<24x64xf32>
    %get3A_5 = arith.constant 0 : index
    %get3A_6 = arith.constant 0 : index
    %get3A_7 = vector.load %arg2[%get3A_5, %get3A_6] : memref<1x64xf32, #tpu.memory_space<vmem>>, vector<1x64xf32>
    %add3A = vector.broadcast %get3A_7 : vector<1x64xf32> to vector<24x64xf32>
    %add3A_8 = arith.addf %get3A_4, %add3A : vector<24x64xf32>
    %get3A_9 = arith.constant 0 : index
    %get3A_10 = arith.constant 0 : index
    %get3A_11 = vector.load %arg3[%get3A_9, %get3A_10] : memref<64x64xf32, #tpu.memory_space<vmem>>, vector<64x64xf32>
    %convert_element_type3A = arith.truncf %add3A_8 : vector<24x64xf32> to vector<24x64xbf16>
    %convert_element_type3A_12 = arith.truncf %get3A_11 : vector<64x64xf32> to vector<64x64xbf16>
    %dot_general3A = arith.constant dense<0.000000e+00> : vector<24x64xf32>
    %dot_general3A_13 = tpu.matmul %convert_element_type3A, %convert_element_type3A_12, %dot_general3A {dimension_numbers = #tpu.dot_dimension_numbers<[1], [0], [0], [1], [0, 0, 1, 1], [], []>, transpose_lhs_hint = false} : vector<24x64xbf16>, vector<64x64xbf16>, vector<24x64xf32> -> vector<24x64xf32>
    %get3A_14 = arith.constant 0 : index
    %get3A_15 = arith.constant 0 : index
    %get3A_16 = vector.load %arg4[%get3A_14, %get3A_15] : memref<1x64xf32, #tpu.memory_space<vmem>>, vector<1x64xf32>
    %add3A_17 = vector.broadcast %get3A_16 : vector<1x64xf32> to vector<24x64xf32>
    %add3A_18 = arith.addf %dot_general3A_13, %add3A_17 : vector<24x64xf32>
    %logistic3A = arith.negf %add3A_18 : vector<24x64xf32>
    %logistic3A_19 = math.exp %logistic3A : vector<24x64xf32>
    %logistic3A_20 = arith.constant 1.000000e+00 : f32
    %logistic3A_21 = vector.broadcast %logistic3A_20 : f32 to vector<24x64xf32>
    %logistic3A_22 = arith.addf %logistic3A_21, %logistic3A_19 : vector<24x64xf32>
    %logistic3A_23 = arith.divf %logistic3A_21, %logistic3A_22 : vector<24x64xf32>
    %get3A_24 = arith.constant 0 : index
    %get3A_25 = arith.constant 0 : index
    %get3A_26 = vector.load %arg14[%get3A_24, %get3A_25] : memref<64x8xf32, #tpu.memory_space<vmem>>, vector<64x8xf32>
    %dot_general3A_27 = arith.constant dense<0.000000e+00> : vector<24x8xf32>
    %dot_general3A_28 = tpu.matmul %get3A_1, %get3A_26, %dot_general3A_27 {dimension_numbers = #tpu.dot_dimension_numbers<[1], [0], [0], [1], [0, 0, 1, 1], [], []>, precision = #tpu.contract_precision<fp32>, transpose_lhs_hint = false} : vector<24x64xf32>, vector<64x8xf32>, vector<24x8xf32> -> vector<24x8xf32>
    %get3A_29 = arith.constant 0 : index
    %get3A_30 = arith.constant 0 : index
    %get3A_31 = vector.load %arg15[%get3A_29, %get3A_30] : memref<64x8xf32, #tpu.memory_space<vmem>>, vector<64x8xf32>
    %dot_general3A_32 = arith.constant dense<0.000000e+00> : vector<24x8xf32>
    %dot_general3A_33 = tpu.matmul %get3A_1, %get3A_31, %dot_general3A_32 {dimension_numbers = #tpu.dot_dimension_numbers<[1], [0], [0], [1], [0, 0, 1, 1], [], []>, precision = #tpu.contract_precision<fp32>, transpose_lhs_hint = false} : vector<24x64xf32>, vector<64x8xf32>, vector<24x8xf32> -> vector<24x8xf32>
    %get3A_34 = arith.constant 0 : index
    %get3A_35 = arith.constant 0 : index
    %get3A_36 = vector.load %arg5[%get3A_34, %get3A_35] : memref<24x24xf32, #tpu.memory_space<vmem>>, vector<24x24xf32>
    %convert_element_type3A_37 = arith.truncf %get3A_36 : vector<24x24xf32> to vector<24x24xbf16>
    %convert_element_type3A_38 = arith.truncf %dot_general3A_28 : vector<24x8xf32> to vector<24x8xbf16>
    %dot_general3A_39 = arith.constant dense<0.000000e+00> : vector<24x8xf32>
    %dot_general3A_40 = tpu.matmul %convert_element_type3A_37, %convert_element_type3A_38, %dot_general3A_39 {dimension_numbers = #tpu.dot_dimension_numbers<[1], [0], [0], [1], [0, 0, 1, 1], [], []>, transpose_lhs_hint = false} : vector<24x24xbf16>, vector<24x8xbf16>, vector<24x8xf32> -> vector<24x8xf32>
    %get3A_41 = arith.constant 0 : index
    %get3A_42 = arith.constant 0 : index
    %get3A_43 = vector.load %arg6[%get3A_41, %get3A_42] : memref<24x1xf32, #tpu.memory_space<vmem>>, vector<24x1xf32>
    %add3A_44 = vector.broadcast %get3A_43 : vector<24x1xf32> to vector<24x8xf32>
    %add3A_45 = arith.addf %dot_general3A_40, %add3A_44 : vector<24x8xf32>
    %get3A_46 = arith.constant 0 : index
    %get3A_47 = arith.constant 0 : index
    %get3A_48 = vector.load %arg5[%get3A_46, %get3A_47] : memref<24x24xf32, #tpu.memory_space<vmem>>, vector<24x24xf32>
    %convert_element_type3A_49 = arith.truncf %get3A_48 : vector<24x24xf32> to vector<24x24xbf16>
    %convert_element_type3A_50 = arith.truncf %dot_general3A_33 : vector<24x8xf32> to vector<24x8xbf16>
    %dot_general3A_51 = arith.constant dense<0.000000e+00> : vector<24x8xf32>
    %dot_general3A_52 = tpu.matmul %convert_element_type3A_49, %convert_element_type3A_50, %dot_general3A_51 {dimension_numbers = #tpu.dot_dimension_numbers<[1], [0], [0], [1], [0, 0, 1, 1], [], []>, transpose_lhs_hint = false} : vector<24x24xbf16>, vector<24x8xbf16>, vector<24x8xf32> -> vector<24x8xf32>
    %get3A_53 = arith.constant 0 : index
    %get3A_54 = arith.constant 0 : index
    %get3A_55 = vector.load %arg6[%get3A_53, %get3A_54] : memref<24x1xf32, #tpu.memory_space<vmem>>, vector<24x1xf32>
    %add3A_56 = vector.broadcast %get3A_55 : vector<24x1xf32> to vector<24x8xf32>
    %add3A_57 = arith.addf %dot_general3A_52, %add3A_56 : vector<24x8xf32>
    %reduce_sum3A = arith.constant dense<0.000000e+00> : vector<24xf32>
    %reduce_sum3A_58 = vector.multi_reduction <add>, %add3A_45, %reduce_sum3A [1] : vector<24x8xf32> to vector<24xf32>
    %broadcast_in_dim3A = vector.shape_cast %reduce_sum3A_58 : vector<24xf32> to vector<24x1xf32>
    %reduce_sum3A_59 = arith.constant dense<0.000000e+00> : vector<24xf32>
    %reduce_sum3A_60 = vector.multi_reduction <add>, %add3A_57, %reduce_sum3A_59 [1] : vector<24x8xf32> to vector<24xf32>
    %broadcast_in_dim3A_61 = vector.shape_cast %reduce_sum3A_60 : vector<24xf32> to vector<24x1xf32>
    %add3A_62 = arith.addf %broadcast_in_dim3A, %broadcast_in_dim3A_61 : vector<24x1xf32>
    %get3A_63 = arith.constant 0 : index
    %get3A_64 = arith.constant 0 : index
    %get3A_65 = vector.load %arg7[%get3A_63, %get3A_64] : memref<24x24xf32, #tpu.memory_space<vmem>>, vector<24x24xf32>
    %dot_general3A_66 = arith.constant dense<0.000000e+00> : vector<24x1xf32>
    %dot_general3A_67 = tpu.matmul %get3A_65, %add3A_62, %dot_general3A_66 {dimension_numbers = #tpu.dot_dimension_numbers<[1], [0], [0], [1], [0, 0, 1, 1], [], []>, precision = #tpu.contract_precision<fp32>, transpose_lhs_hint = false} : vector<24x24xf32>, vector<24x1xf32>, vector<24x1xf32> -> vector<24x1xf32>
    %mul3A = arith.constant 7.812500e-03 : f32
    %mul3A_68 = vector.broadcast %mul3A : f32 to vector<24x1xf32>
    %mul3A_69 = arith.mulf %dot_general3A_67, %mul3A_68 : vector<24x1xf32>
    %sub3A = vector.broadcast %mul3A_69 : vector<24x1xf32> to vector<24x8xf32>
    %sub3A_70 = arith.subf %add3A_45, %sub3A : vector<24x8xf32>
    %sub3A_71 = vector.broadcast %mul3A_69 : vector<24x1xf32> to vector<24x8xf32>
    %sub3A_72 = arith.subf %add3A_57, %sub3A_71 : vector<24x8xf32>
    %mul3A_73 = arith.mulf %sub3A_70, %sub3A_70 : vector<24x8xf32>
    %reduce_sum3A_74 = arith.constant dense<0.000000e+00> : vector<24xf32>
    %reduce_sum3A_75 = vector.multi_reduction <add>, %mul3A_73, %reduce_sum3A_74 [1] : vector<24x8xf32> to vector<24xf32>
    %broadcast_in_dim3A_76 = vector.shape_cast %reduce_sum3A_75 : vector<24xf32> to vector<24x1xf32>
    %mul3A_77 = arith.mulf %sub3A_72, %sub3A_72 : vector<24x8xf32>
    %reduce_sum3A_78 = arith.constant dense<0.000000e+00> : vector<24xf32>
    %reduce_sum3A_79 = vector.multi_reduction <add>, %mul3A_77, %reduce_sum3A_78 [1] : vector<24x8xf32> to vector<24xf32>
    %broadcast_in_dim3A_80 = vector.shape_cast %reduce_sum3A_79 : vector<24xf32> to vector<24x1xf32>
    %add3A_81 = arith.addf %broadcast_in_dim3A_76, %broadcast_in_dim3A_80 : vector<24x1xf32>
    %get3A_82 = arith.constant 0 : index
    %get3A_83 = arith.constant 0 : index
    %get3A_84 = vector.load %arg7[%get3A_82, %get3A_83] : memref<24x24xf32, #tpu.memory_space<vmem>>, vector<24x24xf32>
    %dot_general3A_85 = arith.constant dense<0.000000e+00> : vector<24x1xf32>
    %dot_general3A_86 = tpu.matmul %get3A_84, %add3A_81, %dot_general3A_85 {dimension_numbers = #tpu.dot_dimension_numbers<[1], [0], [0], [1], [0, 0, 1, 1], [], []>, precision = #tpu.contract_precision<fp32>, transpose_lhs_hint = false} : vector<24x24xf32>, vector<24x1xf32>, vector<24x1xf32> -> vector<24x1xf32>
    %mul3A_87 = arith.constant 7.812500e-03 : f32
    %mul3A_88 = vector.broadcast %mul3A_87 : f32 to vector<24x1xf32>
    %mul3A_89 = arith.mulf %dot_general3A_86, %mul3A_88 : vector<24x1xf32>
    %get3A_90 = arith.constant 0 : index
    %get3A_91 = arith.constant 0 : index
    %get3A_92 = vector.load %arg12[%get3A_90, %get3A_91] : memref<24x1xf32, #tpu.memory_space<vmem>>, vector<24x1xf32>
    %add3A_93 = arith.constant 9.99999974E-6 : f32
    %add3A_94 = vector.broadcast %add3A_93 : f32 to vector<24x1xf32>
    %add3A_95 = arith.addf %mul3A_89, %add3A_94 : vector<24x1xf32>
    %sqrt3A = math.sqrt %add3A_95 : vector<24x1xf32>
    %div3A = arith.divf %get3A_92, %sqrt3A : vector<24x1xf32>
    %mul3A_96 = vector.broadcast %div3A : vector<24x1xf32> to vector<24x8xf32>
    %mul3A_97 = arith.mulf %sub3A_70, %mul3A_96 : vector<24x8xf32>
    %get3A_98 = arith.constant 0 : index
    %get3A_99 = arith.constant 0 : index
    %get3A_100 = vector.load %arg13[%get3A_98, %get3A_99] : memref<24x1xf32, #tpu.memory_space<vmem>>, vector<24x1xf32>
    %add3A_101 = vector.broadcast %get3A_100 : vector<24x1xf32> to vector<24x8xf32>
    %add3A_102 = arith.addf %mul3A_97, %add3A_101 : vector<24x8xf32>
    %logistic3A_103 = arith.negf %add3A_102 : vector<24x8xf32>
    %logistic3A_104 = math.exp %logistic3A_103 : vector<24x8xf32>
    %logistic3A_105 = arith.constant 1.000000e+00 : f32
    %logistic3A_106 = vector.broadcast %logistic3A_105 : f32 to vector<24x8xf32>
    %logistic3A_107 = arith.addf %logistic3A_106, %logistic3A_104 : vector<24x8xf32>
    %logistic3A_108 = arith.divf %logistic3A_106, %logistic3A_107 : vector<24x8xf32>
    %mul3A_109 = vector.broadcast %div3A : vector<24x1xf32> to vector<24x8xf32>
    %mul3A_110 = arith.mulf %sub3A_72, %mul3A_109 : vector<24x8xf32>
    %get3A_111 = arith.constant 0 : index
    %get3A_112 = arith.constant 0 : index
    %get3A_113 = vector.load %arg13[%get3A_111, %get3A_112] : memref<24x1xf32, #tpu.memory_space<vmem>>, vector<24x1xf32>
    %add3A_114 = vector.broadcast %get3A_113 : vector<24x1xf32> to vector<24x8xf32>
    %add3A_115 = arith.addf %mul3A_110, %add3A_114 : vector<24x8xf32>
    %logistic3A_116 = arith.negf %add3A_115 : vector<24x8xf32>
    %logistic3A_117 = math.exp %logistic3A_116 : vector<24x8xf32>
    %logistic3A_118 = arith.constant 1.000000e+00 : f32
    %logistic3A_119 = vector.broadcast %logistic3A_118 : f32 to vector<24x8xf32>
    %logistic3A_120 = arith.addf %logistic3A_119, %logistic3A_117 : vector<24x8xf32>
    %logistic3A_121 = arith.divf %logistic3A_119, %logistic3A_120 : vector<24x8xf32>
    %get3A_122 = arith.constant 0 : index
    %get3A_123 = arith.constant 0 : index
    %get3A_124 = vector.load %arg8[%get3A_122, %get3A_123] : memref<24x24xf32, #tpu.memory_space<vmem>>, vector<24x24xf32>
    %convert_element_type3A_125 = arith.truncf %get3A_124 : vector<24x24xf32> to vector<24x24xbf16>
    %convert_element_type3A_126 = arith.truncf %logistic3A_108 : vector<24x8xf32> to vector<24x8xbf16>
    %dot_general3A_127 = arith.constant dense<0.000000e+00> : vector<24x8xf32>
    %dot_general3A_128 = tpu.matmul %convert_element_type3A_125, %convert_element_type3A_126, %dot_general3A_127 {dimension_numbers = #tpu.dot_dimension_numbers<[1], [0], [0], [1], [0, 0, 1, 1], [], []>, transpose_lhs_hint = false} : vector<24x24xbf16>, vector<24x8xbf16>, vector<24x8xf32> -> vector<24x8xf32>
    %get3A_129 = arith.constant 0 : index
    %get3A_130 = arith.constant 0 : index
    %get3A_131 = vector.load %arg9[%get3A_129, %get3A_130] : memref<24x1xf32, #tpu.memory_space<vmem>>, vector<24x1xf32>
    %add3A_132 = vector.broadcast %get3A_131 : vector<24x1xf32> to vector<24x8xf32>
    %add3A_133 = arith.addf %dot_general3A_128, %add3A_132 : vector<24x8xf32>
    %logistic3A_134 = arith.negf %add3A_133 : vector<24x8xf32>
    %logistic3A_135 = math.exp %logistic3A_134 : vector<24x8xf32>
    %logistic3A_136 = arith.constant 1.000000e+00 : f32
    %logistic3A_137 = vector.broadcast %logistic3A_136 : f32 to vector<24x8xf32>
    %logistic3A_138 = arith.addf %logistic3A_137, %logistic3A_135 : vector<24x8xf32>
    %logistic3A_139 = arith.divf %logistic3A_137, %logistic3A_138 : vector<24x8xf32>
    %get3A_140 = arith.constant 0 : index
    %get3A_141 = arith.constant 0 : index
    %get3A_142 = vector.load %arg10[%get3A_140, %get3A_141] : memref<24x24xf32, #tpu.memory_space<vmem>>, vector<24x24xf32>
    %convert_element_type3A_143 = arith.truncf %get3A_142 : vector<24x24xf32> to vector<24x24xbf16>
    %convert_element_type3A_144 = arith.truncf %logistic3A_121 : vector<24x8xf32> to vector<24x8xbf16>
    %dot_general3A_145 = arith.constant dense<0.000000e+00> : vector<24x8xf32>
    %dot_general3A_146 = tpu.matmul %convert_element_type3A_143, %convert_element_type3A_144, %dot_general3A_145 {dimension_numbers = #tpu.dot_dimension_numbers<[1], [0], [0], [1], [0, 0, 1, 1], [], []>, transpose_lhs_hint = false} : vector<24x24xbf16>, vector<24x8xbf16>, vector<24x8xf32> -> vector<24x8xf32>
    %get3A_147 = arith.constant 0 : index
    %get3A_148 = arith.constant 0 : index
    %get3A_149 = vector.load %arg11[%get3A_147, %get3A_148] : memref<24x1xf32, #tpu.memory_space<vmem>>, vector<24x1xf32>
    %add3A_150 = vector.broadcast %get3A_149 : vector<24x1xf32> to vector<24x8xf32>
    %add3A_151 = arith.addf %dot_general3A_146, %add3A_150 : vector<24x8xf32>
    %logistic3A_152 = arith.negf %add3A_151 : vector<24x8xf32>
    %logistic3A_153 = math.exp %logistic3A_152 : vector<24x8xf32>
    %logistic3A_154 = arith.constant 1.000000e+00 : f32
    %logistic3A_155 = vector.broadcast %logistic3A_154 : f32 to vector<24x8xf32>
    %logistic3A_156 = arith.addf %logistic3A_155, %logistic3A_153 : vector<24x8xf32>
    %logistic3A_157 = arith.divf %logistic3A_155, %logistic3A_156 : vector<24x8xf32>
    %get3A_158 = arith.constant 0 : index
    %get3A_159 = arith.constant 0 : index
    %get3A_160 = vector.load %arg16[%get3A_158, %get3A_159] : memref<8x64xf32, #tpu.memory_space<vmem>>, vector<8x64xf32>
    %dot_general3A_161 = arith.constant dense<0.000000e+00> : vector<24x64xf32>
    %dot_general3A_162 = tpu.matmul %logistic3A_139, %get3A_160, %dot_general3A_161 {dimension_numbers = #tpu.dot_dimension_numbers<[1], [0], [0], [1], [0, 0, 1, 1], [], []>, precision = #tpu.contract_precision<fp32>, transpose_lhs_hint = false} : vector<24x8xf32>, vector<8x64xf32>, vector<24x64xf32> -> vector<24x64xf32>
    %get3A_163 = arith.constant 0 : index
    %get3A_164 = arith.constant 0 : index
    %get3A_165 = vector.load %arg17[%get3A_163, %get3A_164] : memref<8x64xf32, #tpu.memory_space<vmem>>, vector<8x64xf32>
    %dot_general3A_166 = arith.constant dense<0.000000e+00> : vector<24x64xf32>
    %dot_general3A_167 = tpu.matmul %logistic3A_157, %get3A_165, %dot_general3A_166 {dimension_numbers = #tpu.dot_dimension_numbers<[1], [0], [0], [1], [0, 0, 1, 1], [], []>, precision = #tpu.contract_precision<fp32>, transpose_lhs_hint = false} : vector<24x8xf32>, vector<8x64xf32>, vector<24x64xf32> -> vector<24x64xf32>
    %mul3A_168 = arith.mulf %dot_general3A_162, %dot_general3A_167 : vector<24x64xf32>
    %get3A_169 = arith.constant 0 : index
    %get3A_170 = arith.constant 0 : index
    %get3A_171 = vector.load %arg18[%get3A_169, %get3A_170] : memref<1x1xf32, #tpu.memory_space<vmem>>, vector<1x1xf32>
    %get3A_172 = vector.extract %get3A_171[0, 0] : f32 from vector<1x1xf32>
    %mul3A_173 = vector.broadcast %get3A_172 : f32 to vector<24x64xf32>
    %mul3A_174 = arith.mulf %mul3A_173, %mul3A_168 : vector<24x64xf32>
    %sub3A_175 = arith.constant 1.000000e+00 : f32
    %sub3A_176 = arith.subf %sub3A_175, %get3A_172 : f32
    %mul3A_177 = vector.broadcast %sub3A_176 : f32 to vector<24x64xf32>
    %mul3A_178 = arith.mulf %mul3A_177, %logistic3A_23 : vector<24x64xf32>
    %add3A_179 = arith.addf %mul3A_174, %mul3A_178 : vector<24x64xf32>
    %broadcast_in_dim3A_180 = vector.shape_cast %add3A_179 : vector<24x64xf32> to vector<24x64x1xf32>
    %broadcast_in_dim3A_181 = vector.shape_cast %add3A_179 : vector<24x64xf32> to vector<24x1x64xf32>
    %iota3A = tpu.iota {dimensions = array<i32: 1>} : vector<24x64x64xi32>
    %iota3A_182 = tpu.iota {dimensions = array<i32: 2>} : vector<24x64x64xi32>
    %gt3A = vector.broadcast %broadcast_in_dim3A_181 : vector<24x1x64xf32> to vector<24x64x64xf32>
    %gt3A_183 = vector.broadcast %broadcast_in_dim3A_180 : vector<24x64x1xf32> to vector<24x64x64xf32>
    %gt3A_184 = arith.cmpf ogt, %gt3A, %gt3A_183 : vector<24x64x64xf32>
    %eq3A = vector.broadcast %broadcast_in_dim3A_181 : vector<24x1x64xf32> to vector<24x64x64xf32>
    %eq3A_185 = vector.broadcast %broadcast_in_dim3A_180 : vector<24x64x1xf32> to vector<24x64x64xf32>
    %eq3A_186 = arith.cmpf oeq, %eq3A, %eq3A_185 : vector<24x64x64xf32>
    %lt3A = arith.cmpi slt, %iota3A_182, %iota3A : vector<24x64x64xi32>
    %and3A = arith.andi %eq3A_186, %lt3A : vector<24x64x64xi1>
    %or3A = arith.ori %gt3A_184, %and3A : vector<24x64x64xi1>
    %convert_element_type3A_187 = arith.extui %or3A : vector<24x64x64xi1> to vector<24x64x64xi32>
    %convert_element_type3A_188 = arith.sitofp %convert_element_type3A_187 : vector<24x64x64xi32> to vector<24x64x64xf32>
    %reduce_sum3A_189 = arith.constant dense<0.000000e+00> : vector<24x64xf32>
    %reduce_sum3A_190 = vector.multi_reduction <add>, %convert_element_type3A_188, %reduce_sum3A_189 [2] : vector<24x64x64xf32> to vector<24x64xf32>
    %lt3A_191 = arith.constant 3.200000e+01 : f32
    %lt3A_192 = vector.broadcast %lt3A_191 : f32 to vector<24x64xf32>
    %lt3A_193 = arith.cmpf olt, %reduce_sum3A_190, %lt3A_192 : vector<24x64xf32>
    %convert_element_type3A_194 = arith.extui %lt3A_193 : vector<24x64xi1> to vector<24x64xi32>
    %convert_element_type3A_195 = arith.sitofp %convert_element_type3A_194 : vector<24x64xi32> to vector<24x64xf32>
    %swap3A = arith.constant 0 : index
    %swap3A_196 = arith.constant 0 : index
    %swap3A_197 = vector.load %arg19[%swap3A, %swap3A_196] : memref<24x64xf32, #tpu.memory_space<vmem>>, vector<24x64xf32>
    tpu.vector_store %arg19[%swap3A, %swap3A_196], %convert_element_type3A_195 {strides = array<i32>} : memref<24x64xf32, #tpu.memory_space<vmem>>, vector<24x64xf32>,
    return
  }
}

module attributes {stable_mosaic.version = 14 : i64} {
  func.func @_mul_body(%arg0: i32, %arg1: memref<1x64x16384xf32, #tpu.memory_space<vmem>>, %arg2: memref<1x64x1xf32, #tpu.memory_space<vmem>>, %arg3: memref<1x64x16384xf32, #tpu.memory_space<vmem>>, %arg4: memref<1x64x16384xf32, #tpu.memory_space<vmem>>) attributes {dimension_semantics = [#tpu.dimension_semantics<arbitrary>], iteration_bounds = array<i64: 24>, scalar_prefetch = 0 : i64, scratch_operands = 0 : i64, tpu.core_type = #tpu.core_type<tc>, window_params = [{transform_indices = @transform_0, window_bounds = array<i64: 1, 64, 16384>}, {transform_indices = @transform_1, window_bounds = array<i64: 1, 64, 1>}, {transform_indices = @transform_2, window_bounds = array<i64: 1, 64, 16384>}, {transform_indices = @transform_3, window_bounds = array<i64: 1, 64, 16384>}]} {
    %get3A = arith.constant 0 : index
    %get3A_0 = arith.constant 0 : index
    %get3A_1 = arith.constant 0 : index
    %get3A_2 = vector.load %arg1[%get3A, %get3A_0, %get3A_1] : memref<1x64x16384xf32, #tpu.memory_space<vmem>>, vector<1x64x16384xf32>
    %get3A_3 = arith.constant 0 : index
    %get3A_4 = arith.constant 0 : index
    %get3A_5 = arith.constant 0 : index
    %get3A_6 = vector.load %arg2[%get3A_3, %get3A_4, %get3A_5] : memref<1x64x1xf32, #tpu.memory_space<vmem>>, vector<1x64x1xf32>
    %mul3A = vector.broadcast %get3A_6 : vector<1x64x1xf32> to vector<1x64x16384xf32>
    %mul3A_7 = arith.mulf %get3A_2, %mul3A : vector<1x64x16384xf32>
    %swap3A = arith.constant 0 : index
    %swap3A_8 = arith.constant 0 : index
    %swap3A_9 = arith.constant 0 : index
    %swap3A_10 = vector.load %arg3[%swap3A, %swap3A_8, %swap3A_9] : memref<1x64x16384xf32, #tpu.memory_space<vmem>>, vector<1x64x16384xf32>
    tpu.vector_store %arg3[%swap3A, %swap3A_8, %swap3A_9], %mul3A_7 {strides = array<i32>} : memref<1x64x16384xf32, #tpu.memory_space<vmem>>, vector<1x64x16384xf32>,
    %broadcast_in_dim3A = arith.constant 0.000000e+00 : f32
    %broadcast_in_dim3A_11 = vector.broadcast %broadcast_in_dim3A : f32 to vector<1x64x16384xf32>
    %swap3A_12 = arith.constant 0 : index
    %swap3A_13 = arith.constant 0 : index
    %swap3A_14 = arith.constant 0 : index
    %swap3A_15 = vector.load %arg4[%swap3A_12, %swap3A_13, %swap3A_14] : memref<1x64x16384xf32, #tpu.memory_space<vmem>>, vector<1x64x16384xf32>
    tpu.vector_store %arg4[%swap3A_12, %swap3A_13, %swap3A_14], %broadcast_in_dim3A_11 {strides = array<i32>} : memref<1x64x16384xf32, #tpu.memory_space<vmem>>, vector<1x64x16384xf32>,
    return
  }
  func.func @transform_0(%arg0: i32) -> (i32, i32, i32) {
    %c0_i32 = arith.constant 0 : i32
    %c0_i32_0 = arith.constant 0 : i32
    %c0_i32_1 = arith.constant 0 : i32
    return %arg0, %c0_i32, %c0_i32_0 : i32, i32, i32
  }
  func.func @transform_1(%arg0: i32) -> (i32, i32, i32) {
    %c0_i32 = arith.constant 0 : i32
    %c0_i32_0 = arith.constant 0 : i32
    %c0_i32_1 = arith.constant 0 : i32
    return %arg0, %c0_i32, %c0_i32_0 : i32, i32, i32
  }
  func.func @transform_2(%arg0: i32) -> (i32, i32, i32) {
    %c0_i32 = arith.constant 0 : i32
    %c0_i32_0 = arith.constant 0 : i32
    %c0_i32_1 = arith.constant 0 : i32
    return %arg0, %c0_i32, %c0_i32_0 : i32, i32, i32
  }
  func.func @transform_3(%arg0: i32) -> (i32, i32, i32) {
    %c0_i32 = arith.constant 0 : i32
    %c0_i32_0 = arith.constant 0 : i32
    %c0_i32_1 = arith.constant 0 : i32
    return %arg0, %c0_i32, %c0_i32_0 : i32, i32, i32
  }
}

</mosaic_0001>

<sc_bundles>
// kernel: sparse-core-data-format-call.1.cloned.1.call-start
scs
called_computation.1_lowered:
.L_overlay_start_0:
0x0: {  	s2 =	sld [smem:$0x3FD9]  }
0x1: {  	s3 =	sld [smem:$0x3FFE];
	_ =	sdelay $0x1  }
0x2: {  	s1 =	srdreg.scid  }
0x3: {  	s0 =	sand.u32 $0x1, s1  }
0x4: {  	s16 =	sshll.u32 s0, $0xA;
	s2 =	sadd.s32 s3, s2  }
0x5: {  	s2 =	sadd.s32 s2, s16  }
0x6: {  	[smem:$0x3FBA] =	sst s2  }
0x7: {  	_ = 	snop  }
0x8: {  	s2 =	sld [smem:$0x3FD0];
	_ =	sdelay $0x2  }
0x9: {  	s17 =	simm.s32 $0xB;
	s4 =	simm.s32 $0x10  }
0xa: {  	[smem:s4], [sflag:s17] =	dma.local [hbm:s2], $0x1  }
0xb: {  	_ =	swait.eq [sflag:s17], $0x1  }
0xc: {  	[sflag:s17] =	ssyncset.done $0x0  }
0xd: {  	[sflag:s17] =	ssyncadd.s32 $0xFFFFFFFF  }
0xe: {  	s18 =	sld [smem:$0x10];
	(tm) =	ssettm $0x1  }
0xf: {  	s19 =	sld [smem:$0x3FFB];
	_ =	sdelay $0x3  }
0x10: {  	_ =	strace s19  }
0x11: {  	s2 =	sld [smem:$0x3FFC];
	_ =	sdelay $0x3  }
0x12: {  	_ =	strace s2  }
0x13: {  	s2 =	sld [smem:$0x3FFD];
	_ =	sdelay $0x3  }
0x14: {  	_ =	strace s2  }
0x15: {  	_ =	strace $0x8FFFFFFF  }
0x16: {  	s20 =	sld [smem:$0x3FDB];
	_ =	sdelay $0x1  }
0x17: {  	s21 =	simm.s32 $_scs_section_size  }
0x18: {  	s5 =	simm.s32 $_size__tile_overlayer_lowered;
	s6 =	simm.s32 $_tile_overlayer_lowered  }
0x19: {  	s7 =	simm.s32 $0x1BFF;
	s22 =	sshll.u32 s6, $0x1;
	s4 =	sadd.s32 s21, s20  }
0x1a: {  	s23 =	simm.s32 $0x0;
	s5 =	sshll.u32 s5, $0x1;
	s6 =	sadd.s32 s22, s4  }
0x1b: {  	[timem:s23], [sflag:s7] =	dma.local [hbm:s6], s5  }
0x1c: {  	_ =	swait.ge [sflag:s7], s5  }
0x1d: {  	s5 =	ssub.s32 $0x0, s5;
	[sflag:s7] =	ssyncset.done $0x0  }
0x1e: {  	[sflag:s7] =	ssyncadd.s32 s5;
	_ =	sdelay $0x1  }
0x1f: {  	s24 =	simm.s32 $0x1B8B  }
0x20: {  	_ =	swait.ge [sflag:s24], $0x1  }
0x21: {  	[sflag:s24] =	ssyncset.done $0x0  }
0x22: {  	[sflag:s24] =	ssyncadd.s32 $0xFFFFFFFF  }
0x23: {  	s5 =	sld [smem:$0x0]  }
0x24: {  	s6 =	sand.u32 $0xFFFFFFFE, s1  }
0x25: {  	p0 =	sne.s32 s1, s6  }
0x26: {  	s6 =	sshll.u32 @p0 s6, $0xE  }
0x27: {  	s6 =	sadd.s32 @p0 $0x11B8D, s6;
	s7 =	sshll.u32 @p0 s5, $0x11  }
0x28: {  	s6 =	sor.u32 @p0 s7, s6  }
0x29: {  	[sflag:s6] =	ssyncadd.remote.s32 @p0 $0x1;
	_ =	sdelay $0x1  }
0x2a: {  	s6 =	simm.s32 @p0 $0x1B8D  }
0x2b: {  	_ =	swait.eq @p0 [sflag:s6], $0x1  }
0x2c: {  	[sflag:s6] =	ssyncadd.s32 @p0 $0xFFFFFFFF  }
0x2d: {  	s7 =	sshll.u32 @!p0 s1, $0xE  }
0x2e: {  	s7 =	sor.u32 @!p0 $0x4000, s7;
	s6 =	simm.s32 @!p0 $0x1B8D  }
0x2f: {  	s5 =	sshll.u32 @!p0 s5, $0x11;
	s7 =	sadd.s32 @!p0 $0x11B8D, s7;
	_ =	swait.eq @!p0 [sflag:s6], $0x1  }
0x30: {  	s5 =	sor.u32 @!p0 s5, s7;
	[sflag:s6] =	ssyncadd.s32 @!p0 $0xFFFFFFFF  }
0x31: {  	s26 =	simm.s32 $0x1B8E;
	s25 =	sld [smem:$0x3FFE];
	[sflag:s5] =	ssyncadd.remote.s32 @!p0 $0x1  }
0x32: {  	s27 =	simm.s32 $execute0_lowered;
	[smem:$0x3FD2] =	sst s26  }
0x33: {  	s6 =	sshll.u32 s27, $0x1;
	_ =	strace $0x80000049;
	[dreg:$0x1] =	wrdreg $0xFFFFFFFF  }
0x34: {  	s28 =	simm.s32 $_size_execute0_lowered;
	s4 =	sadd.s32 s4, s6;
	[dreg:$0x0] =	wrdreg $0x0  }
0x35: {  	s6 =	sshll.u32 s28, $0x1;
	[dreg:$0x2] =	wrdreg s4  }
0x36: {  	[dreg:$0x3] =	wrdreg s6  }
0x37: {  	[dreg:$0x4] =	wrdreg $0xC0  }
0x38: {  	_ =	task [dreg:s23], $0x5FFFF  }
0x39: {  	[dreg:$0x1] =	wrdreg $0xFFFFFFFF  }
0x3a: {  	[dreg:$0x0] =	wrdreg $0x60  }
0x3b: {  	[dreg:$0x2] =	wrdreg s25  }
0x3c: {  	[dreg:$0x3] =	wrdreg s18  }
0x3d: {  	[dreg:$0x4] =	wrdreg $0xA  }
0x3e: {  	_ =	task.clear_ibuf [dreg:s23], $0x5FFFF;
	_ =	strace $0x90000049  }
0x3f: {  	s29 =	simm.s32 $0xA;
	_ =	strace $0x8000004B  }
0x40: {  	_ =	swait.ge [sflag:s29], $0x1  }
0x41: {  	[sflag:s29] =	ssyncadd.s32 $0xFFFFFFFF  }
0x42: {  	_ =	strace $0x9000004B  }
0x43: {  	_ =	sfence  }
0x44: {  	s30 =	sld [smem:$0x0];
	_ =	sdelay $0x2  }
0x45: {  	s31 =	sshll.u32 s1, $0xD;
	s1 =	sshrl.u32 s1, $0x2  }
0x46: {  	s4 =	sand.u32 $0x4000, s31;
	s1 =	sadd.s32 s1, s30  }
0x47: {  	s0 =	sor.u32 s4, s0;
	s1 =	sshll.u32 s1, $0x11  }
0x48: {  	s0 =	sor.u32 s1, s0  }
0x49: {  	s0 =	sadd.s32 $0x8F2B, s0  }
0x4a: {  	[sflag:s0] =	ssyncadd.remote.s32 $0x1  }
0x4b: {  	_ =	sfence.sel $0xFFFF  }
0x4c: {  	[dreg:$0x0] =	wrdreg $0xFFFFFFFF;
	(pc) =	sbr.abs _section_cstart, $3  }
0x4d: {  	[dreg:$0x1] =	wrdreg $0xFFFFFFFF  }
0x4e: {  	_ =	task.clear_ibuf [dreg:s23], $0x2FFFF;
	_ =	strace $0x9FFFFFFF  }
0x4f: {  	(tm) =	ssettm $0x7FFFFFFF  }
tec
execute0_lowered:
.L_overlay_start_1:
0x0: {  	(tag) =	ssettag $0x1  }
0x1: {  	s1 =	rddreg [dreg:$0x0]  }
0x2: {  	s2 =	rddreg [dreg:$0x1]  }
0x3: {  	s0 =	rddreg [dreg:$0x2];
	_ =	strace $0x8000004A;
	s4 =	srdreg.scid  }
0x4: {  	s6 =	simm.s32 $0x2;
	s11 =	simm.s32 $0x0;
	p0 =	por $0x0, $0x0  }
.Ltmp0:
0x5: {  	s7 =	simm.s32 $0x4000;
	s12 =	simm.s32 $0x0;
	(pc) =	sbr.rel .LBB1_1-.Ltmp0, $4  }
0x6: {  	s9 =	simm.s32 $0x0;
	s3 =	sadd.s32 $0x301800, s1;
	s5 =	sshll.u32 s4, $0x4  }
0x7: {  	s1 =	stileid.u32;
	s4 =	simm.s32 $0x1;
	s5 =	sand.u32 $0x10, s5  }
0x8: {  	s8 =	simm.s32 $0x0;
	[sflag:s4] =	ssyncpa.u1 $0x0;
	s5 =	sor.u32 s1, s5  }
0x9: {  	[sflag:s6] =	ssyncpa.u1 $0x0;
	s6 =	simm.s32 $0x800;
	s10 =	smov.u32 s5  }
.LBB1_7:
0xa: {  	s13 =	sadd.s32 $0x10, s9  }
0xb: {  	s11 =	sadd.s32 $0x20, s10;
	s15 =	smov.u32 s10;
	p2 =	sgt.s32 s13, $0x7F  }
0xc: {  	p1 =	slt.u32 s8, $0x2;
	s15 =	smov.u32 @p2 s11  }
0xd: {  	s8 =	sadd.s32 $0x1, s8;
	s13 =	simm.s32 @p2 $0x0;
	p2 =	sgt.s32 s15, $0xBF  }
0xe: {  	s15 =	smov.u32 @p2 s5;
	p2 =	sne.s32 s8, $0x32  }
.Ltmp1:
0xf: {  	_ = 	snop;
	(pc) =	sbr.rel @!p2 .LBB1_8-.Ltmp1, $4  }
0x10: {  	s14 =	simm.s32 @!p1 $0x2  }
0x11: {  	s12 =	smov.u32 s10;
	_ =	swait.ge @!p1 [sflag:s14], $0x4000  }
0x12: {  	p0 =	por !p0, !p0;
	s11 =	smov.u32 s9;
	[sflag:s14] =	ssyncset.done @!p1 $0x0  }
0x13: {  	s9 =	smov.u32 s13;
	[sflag:s14] =	ssyncadd.s32 @!p1 $0xFFFFC000;
	s10 =	smov.u32 s15  }
.LBB1_1:
0x14: {  	p1 =	sgt.u32 s8, $0x2F  }
0x15: {  	s13 =	sxor.u32 @!p1 $0xFFFFFFFF, s8;
	s14 =	sshll.u32 @!p1 s10, $0xE  }
0x16: {  	s15 =	sshll.u32 @!p1 s9, $0x7;
	s13 =	sshll.u32 @!p1 s13, $0xE;
	s14 =	sadd.s32 @!p1 s3, s14  }
0x17: {  	s13 =	sand.u32 @!p1 $0x4000, s13;
	s14 =	sadd.s32 @!p1 s15, s14;
	s15 =	simm.s32 @!p1 $0x0  }
0x18: {  	[tilespmem:s13], [sflag:$0x1] =	stream.linear.gather @!p1 [hbm4b:s14+s15], $0x4000, $0x38;
	[tilespmem:$0x10000] =	vst v63  }
0x19: {  	p1 =	seq.s32 s8, $0x0  }
0x1a: {  	p2 =	seq.s32 @!p1 s8, $0x31  }
0x1b: {  	p1 =	por p1, p2  }
.Ltmp2:
0x1c: {  	_ = 	snop;
	(pc) =	sbr.rel @p1 .LBB1_7-.Ltmp2, $1  }
0x1d: {  	_ =	sdelay $0x3  }
0x1e: {  	s13 =	simm.s32 $0x1;
	_ =	swait.ge [sflag:s4], $0x4000;
	s16 =	sshll.u32 s8, $0xE  }
0x1f: {  	s13 =	simm.s32 @!p0 $0x0;
	[sflag:s4] =	ssyncset.done $0x0;
	s31 =	sand.u32 $0x4000, s16  }
0x20: {  	s16 =	simm.s32 $0x0;
	s14 =	sshll.u32 s13, $0xE;
	[sflag:s4] =	ssyncadd.s32 $0xFFFFC000  }
0x21: {  	s13 =	sor.u32 $0x8040, s14;
	s15 =	sor.u32 $0x40, s14;
	s14 =	sor.u32 $0x8000, s31  }
.LBB1_3:
0x22: {  	v0 =	vmov s15;
	_ =	sdelay $0x3  }
0x23: {  	s18 =	simm.s32 $0x0  }
0x24: {  	v6 =	vld.idx.msk [tilespmem:v0+s18+$0x30 ss:$0x1], $0xffff  }
0x25: {  	v7 =	vld.idx.msk [tilespmem:v0+s18+$0xFFFFFFC0 ss:$0x1], $0xffff  }
0x26: {  	v5 =	vld.idx.msk [tilespmem:v0+s18+$0xFFFFFFD0 ss:$0x1], $0xffff  }
0x27: {  	v4 =	vld.idx.msk [tilespmem:v0+s18+$0xFFFFFFE0 ss:$0x1], $0xffff  }
0x28: {  	v3 =	vld.idx.msk [tilespmem:v0+s18+$0xFFFFFFF0 ss:$0x1], $0xffff  }
0x29: {  	v1 =	vld.idx.msk [tilespmem:v0+s18+$0x0 ss:$0x1], $0xffff  }
0x2a: {  	v2 =	vld.idx.msk [tilespmem:v0+s18+$0x10 ss:$0x1], $0xffff;
	[tilespmem:s13+$0x30] =	vst v6  }
0x2b: {  	s17 =	simm.s32 $0x80;
	s19 =	simm.s32 $0x400;
	[tilespmem:s13+$0xFFFFFFC0] =	vst v7;
	v6 =	vld.idx.msk [tilespmem:v0+s18+$0x20 ss:$0x1], $0xffff;
	s18 =	smov.u32 s13  }
.LBB1_4:
0x2c: {  	p1 =	sne.s32 s19, $0xE00;
	v7 =	vld.idx.msk [tilespmem:v0+s17+$0x30 ss:$0x1], $0xffff;
	[tilespmem:s18+$0xFFFFFFD0] =	vst v5  }
0x2d: {  	v8 =	vld.idx.msk [tilespmem:v0+s17+$0xFFFFFFC0 ss:$0x1], $0xffff;
	[tilespmem:s18+$0xFFFFFFE0] =	vst v4  }
0x2e: {  	v5 =	vld.idx.msk [tilespmem:v0+s17+$0xFFFFFFD0 ss:$0x1], $0xffff;
	[tilespmem:s18+$0xFFFFFFF0] =	vst v3  }
.Ltmp3:
0x2f: {  	v4 =	vld.idx.msk [tilespmem:v0+s17+$0xFFFFFFE0 ss:$0x1], $0xffff;
	[tilespmem:s18+$0x0] =	vst v1;
	(pc) =	sbr.rel @p1 .LBB1_4-.Ltmp3, $4  }
0x30: {  	v3 =	vld.idx.msk [tilespmem:v0+s17+$0xFFFFFFF0 ss:$0x1], $0xffff;
	[tilespmem:s18+$0x10] =	vst v2  }
0x31: {  	v1 =	vld.idx.msk [tilespmem:v0+s17+$0x0 ss:$0x1], $0xffff;
	[tilespmem:s18+$0x20] =	vst v6;
	s18 =	sadd.s32 $0x800, s18  }
0x32: {  	v2 =	vld.idx.msk [tilespmem:v0+s17+$0x10 ss:$0x1], $0xffff;
	[tilespmem:s18+$0x30] =	vst v7  }
0x33: {  	[tilespmem:s18+$0xFFFFFFC0] =	vst v8;
	v6 =	vld.idx.msk [tilespmem:v0+s17+$0x20 ss:$0x1], $0xffff;
	s17 =	sshra.s32 s19, $0x2;
	s19 =	sadd.s32 $0x200, s19  }
0x34: {  	_ =	sdelay $0x2  }
0x35: {  	[tilespmem:s18+$0xFFFFFFD0] =	vst v5  }
0x36: {  	v56 =	vld.idx.msk [tilespmem:v0+s17+$0x30 ss:$0x1], $0xffff;
	[tilespmem:s18+$0xFFFFFFE0] =	vst v4  }
0x37: {  	v57 =	vld.idx.msk [tilespmem:v0+s17+$0xFFFFFFC0 ss:$0x1], $0xffff;
	[tilespmem:s18+$0xFFFFFFF0] =	vst v3  }
0x38: {  	v58 =	vld.idx.msk [tilespmem:v0+s17+$0xFFFFFFD0 ss:$0x1], $0xffff;
	[tilespmem:s18+$0x0] =	vst v1  }
0x39: {  	v59 =	vld.idx.msk [tilespmem:v0+s17+$0xFFFFFFE0 ss:$0x1], $0xffff;
	[tilespmem:s18+$0x10] =	vst v2  }
0x3a: {  	v60 =	vld.idx.msk [tilespmem:v0+s17+$0xFFFFFFF0 ss:$0x1], $0xffff;
	s31 =	sadd.s32 $0x800, s18;
	[tilespmem:s18+$0x20] =	vst v6  }
0x3b: {  	v61 =	vld.idx.msk [tilespmem:v0+s17+$0x0 ss:$0x1], $0xffff;
	[tilespmem:s31+$0x30] =	vst v56  }
0x3c: {  	v62 =	vld.idx.msk [tilespmem:v0+s17+$0x10 ss:$0x1], $0xffff;
	s16 =	sadd.s32 $0x1, s16;
	[tilespmem:s31+$0xFFFFFFC0] =	vst v57  }
0x3d: {  	v63 =	vld.idx.msk [tilespmem:v0+s17+$0x20 ss:$0x1], $0xffff;
	p1 =	sne.s32 s16, $0x10;
	[tilespmem:s31+$0xFFFFFFD0] =	vst v58  }
.Ltmp4:
0x3e: {  	[tilespmem:s31+$0xFFFFFFE0] =	vst v59;
	(pc) =	sbr.rel @p1 .LBB1_3-.Ltmp4, $4  }
0x3f: {  	[tilespmem:s31+$0xFFFFFFF0] =	vst v60  }
0x40: {  	[tilespmem:s31+$0x0] =	vst v61  }
0x41: {  	[tilespmem:s31+$0x10] =	vst v62  }
0x42: {  	s13 =	sadd.s32 $0x80, s13;
	s15 =	sadd.s32 $0x400, s15;
	[tilespmem:s31+$0x20] =	vst v63  }
.Ltmp5:
0x43: {  	(pc) =	sbr.rel .LBB1_7-.Ltmp5, $4  }
0x44: {  	s12 =	sshll.u32 s12, $0xE;
	s11 =	sshll.u32 s11, $0x4  }
0x45: {  	s11 =	sand.u32 $0x7F0, s11;
	s12 =	sadd.s32 s2, s12  }
0x46: {  	s11 =	sadd.s32 s11, s12  }
0x47: {  	[hbm4b:s11+s6] =	stream.strided.scatter [tilespmem:s14], [sflag:$0x2], $0x4000, s7, s6, $0x38;
	[tilespmem:$0x10000] =	vst v63  }
.LBB1_8:
0x48: {  	_ =	sfence.sel $0x180000  }
0x49: {  	s2 =	simm.s32 $0x1;
	[bflag:$0x0] =	sbarrier.arrive $0xFFFF  }
0x4a: {  	s31 =	simm.s32 $0x2;
	[sflag:s2] =	ssyncpa.u1 $0x1  }
0x4b: {  	[sflag:s31] =	ssyncpa.u1 $0x1  }
0x4c: {  	p0 =	sne.s32 s1, $0x0;
	_ =	strace $0x9000004A  }
0x4d: {  	s0 =	sadd.s32 @!p0 $0x100000, s0;
	[bflag:$0x2] =	sbarrier.arrive $0xFFFF  }
0x4e: {  	[sflag:s0] =	ssyncadd.tile.s32 @!p0 $0x1;
	_ =	shalt  }
.Lfunc_end1:
_tile_overlayer_lowered:
.L_overlay_start_2:
0x4f: {  	(tag) =	ssettag $0x2  }
0x50: {  	s0 =	rddreg [dreg:$0x0];
	s2 =	stileid.u32  }
0x51: {  	s1 =	rddreg [dreg:$0x1];
	p0 =	sne.s32 s2, $0x0  }
0x52: {  	s3 =	rddreg [dreg:$0x2];
	[bflag:$0x3] =	sbarrier.arrive $0xFFFF;
	s2 =	simm.s32 @!p0 $0x1C01  }
0x53: {  	[timem:s3], [sflag:s2] =	dma.local @!p0 [hbm:s0], s1  }
0x54: {  	s0 =	simm.s32 @!p0 $0x1  }
0x55: {  	_ =	swait.ge @!p0 [sflag:s0], s1  }
0x56: {  	s1 =	ssub.s32 @!p0 $0x0, s1;
	[sflag:s0] =	ssyncset.done @!p0 $0x0  }
0x57: {  	[sflag:s0] =	ssyncadd.s32 @!p0 s1  }
0x58: {  	[bflag:$0x3] =	sbarrier.arrive $0xFFFF  }
0x59: {  	_ =	shalt  }

// kernel: sparse-core-data-format-call.cloned.1.call-start
scs
called_computation_lowered:
.L_overlay_start_0:
0x0: {  	s2 =	sld [smem:$0x3FD9]  }
0x1: {  	s3 =	sld [smem:$0x3FFE];
	_ =	sdelay $0x1  }
0x2: {  	s1 =	srdreg.scid  }
0x3: {  	s0 =	sand.u32 $0x1, s1  }
0x4: {  	s15 =	sshll.u32 s0, $0xA;
	s2 =	sadd.s32 s3, s2  }
0x5: {  	s2 =	sadd.s32 s2, s15  }
0x6: {  	[smem:$0x3FBA] =	sst s2  }
0x7: {  	_ = 	snop  }
0x8: {  	s2 =	sld [smem:$0x3FD0];
	_ =	sdelay $0x2  }
0x9: {  	s16 =	simm.s32 $0xB;
	s4 =	simm.s32 $0x10  }
0xa: {  	[smem:s4], [sflag:s16] =	dma.local [hbm:s2], $0x1  }
0xb: {  	_ =	swait.eq [sflag:s16], $0x1  }
0xc: {  	[sflag:s16] =	ssyncset.done $0x0  }
0xd: {  	[sflag:s16] =	ssyncadd.s32 $0xFFFFFFFF  }
0xe: {  	s17 =	sld [smem:$0x11];
	(tm) =	ssettm $0x1  }
0xf: {  	s18 =	sld [smem:$0x3FFB];
	_ =	sdelay $0x3  }
0x10: {  	_ =	strace s18  }
0x11: {  	s3 =	sld [smem:$0x3FFC];
	_ =	sdelay $0x3  }
0x12: {  	_ =	strace s3  }
0x13: {  	s3 =	sld [smem:$0x3FFD];
	_ =	sdelay $0x3  }
0x14: {  	_ =	strace s3  }
0x15: {  	_ =	strace $0x8FFFFFFF  }
0x16: {  	s19 =	sld [smem:$0x3FDB];
	_ =	sdelay $0x1  }
0x17: {  	s20 =	simm.s32 $_scs_section_size  }
0x18: {  	s5 =	simm.s32 $_size__tile_overlayer_lowered;
	s6 =	simm.s32 $_tile_overlayer_lowered  }
0x19: {  	s23 =	simm.s32 $0x1BFF;
	s22 =	sshll.u32 s6, $0x1;
	s3 =	sadd.s32 s20, s19  }
0x1a: {  	s7 =	simm.s32 $0x0;
	s21 =	sshll.u32 s5, $0x1;
	s5 =	sadd.s32 s22, s3  }
0x1b: {  	[timem:s7], [sflag:s23] =	dma.local [hbm:s5], s21  }
0x1c: {  	_ =	swait.ge [sflag:s23], s21  }
0x1d: {  	s4 =	ssub.s32 $0x0, s21;
	[sflag:s23] =	ssyncset.done $0x0  }
0x1e: {  	[sflag:s23] =	ssyncadd.s32 s4;
	_ =	sdelay $0x1  }
0x1f: {  	s24 =	simm.s32 $0x1B8B  }
0x20: {  	_ =	swait.ge [sflag:s24], $0x1  }
0x21: {  	[sflag:s24] =	ssyncset.done $0x0  }
0x22: {  	s26 =	simm.s32 $0x1B8E;
	s25 =	sld [smem:$0x3FFE];
	[sflag:s24] =	ssyncadd.s32 $0xFFFFFFFF  }
0x23: {  	s27 =	simm.s32 $execute0_lowered;
	[smem:$0x3FD2] =	sst s26  }
0x24: {  	s5 =	sshll.u32 s27, $0x1;
	_ =	strace $0x80000046;
	[dreg:$0x1] =	wrdreg $0xFFFFFFFF  }
0x25: {  	s28 =	simm.s32 $_size_execute0_lowered;
	s3 =	sadd.s32 s3, s5;
	[dreg:$0x0] =	wrdreg $0x0  }
0x26: {  	s5 =	sshll.u32 s28, $0x1;
	[dreg:$0x2] =	wrdreg s3  }
0x27: {  	[dreg:$0x3] =	wrdreg s5  }
0x28: {  	[dreg:$0x4] =	wrdreg $0xC0  }
0x29: {  	_ =	task [dreg:s7], $0x5FFFF  }
0x2a: {  	[dreg:$0x1] =	wrdreg $0xFFFFFFFF  }
0x2b: {  	[dreg:$0x0] =	wrdreg $0x60  }
0x2c: {  	[dreg:$0x2] =	wrdreg s25  }
0x2d: {  	[dreg:$0x3] =	wrdreg s17  }
0x2e: {  	[dreg:$0x4] =	wrdreg $0x9  }
0x2f: {  	_ =	task.clear_ibuf [dreg:s7], $0x5FFFF;
	_ =	strace $0x90000046  }
0x30: {  	s29 =	simm.s32 $0x9;
	_ =	strace $0x80000048  }
0x31: {  	_ =	swait.ge [sflag:s29], $0x1  }
0x32: {  	[sflag:s29] =	ssyncadd.s32 $0xFFFFFFFF  }
0x33: {  	_ =	strace $0x90000048  }
0x34: {  	_ =	sfence  }
0x35: {  	s30 =	sld [smem:$0x0];
	_ =	sdelay $0x2  }
0x36: {  	s31 =	sshll.u32 s1, $0xD;
	s1 =	sshrl.u32 s1, $0x2  }
0x37: {  	s3 =	sand.u32 $0x4000, s31;
	s1 =	sadd.s32 s1, s30  }
0x38: {  	s0 =	sor.u32 s3, s0;
	s1 =	sshll.u32 s1, $0x11  }
0x39: {  	s0 =	sor.u32 s1, s0  }
0x3a: {  	s0 =	sadd.s32 $0x8F2B, s0  }
0x3b: {  	[sflag:s0] =	ssyncadd.remote.s32 $0x1  }
0x3c: {  	_ =	sfence.sel $0xFFFF  }
0x3d: {  	[dreg:$0x0] =	wrdreg $0xFFFFFFFF;
	(pc) =	sbr.abs _section_cstart, $3  }
0x3e: {  	[dreg:$0x1] =	wrdreg $0xFFFFFFFF  }
0x3f: {  	_ =	task.clear_ibuf [dreg:s7], $0x2FFFF;
	_ =	strace $0x9FFFFFFF  }
0x40: {  	(tm) =	ssettm $0x7FFFFFFF  }
0x41: {  	_ =	shalt  }
tec
execute0_lowered:
.L_overlay_start_1:
0x0: {  	(tag) =	ssettag $0x1  }
0x1: {  	s1 =	rddreg [dreg:$0x0]  }
0x2: {  	s2 =	rddreg [dreg:$0x1]  }
0x3: {  	s0 =	rddreg [dreg:$0x2];
	_ =	strace $0x80000047;
	s4 =	srdreg.scid  }
0x4: {  	s6 =	simm.s32 $0x2;
	s11 =	simm.s32 $0x0;
	p0 =	por $0x0, $0x0  }
.Ltmp0:
0x5: {  	s7 =	simm.s32 $0x4000;
	s12 =	simm.s32 $0x0;
	(pc) =	sbr.rel .LBB1_1-.Ltmp0, $4  }
0x6: {  	s9 =	simm.s32 $0x0;
	s3 =	sadd.s32 $0x1800, s1;
	s5 =	sshll.u32 s4, $0x4  }
0x7: {  	s1 =	stileid.u32;
	s4 =	simm.s32 $0x1;
	s5 =	sand.u32 $0x10, s5  }
0x8: {  	s8 =	simm.s32 $0x0;
	[sflag:s4] =	ssyncpa.u1 $0x0;
	s5 =	sor.u32 s1, s5  }
0x9: {  	[sflag:s6] =	ssyncpa.u1 $0x0;
	s6 =	simm.s32 $0x800;
	s10 =	smov.u32 s5  }
.LBB1_7:
0xa: {  	s13 =	sadd.s32 $0x10, s9  }
0xb: {  	s11 =	sadd.s32 $0x20, s10;
	s15 =	smov.u32 s10;
	p2 =	sgt.s32 s13, $0x7F  }
0xc: {  	p1 =	slt.u32 s8, $0x2;
	s15 =	smov.u32 @p2 s11  }
0xd: {  	s8 =	sadd.s32 $0x1, s8;
	s13 =	simm.s32 @p2 $0x0;
	p2 =	sgt.s32 s15, $0xBF  }
0xe: {  	s15 =	smov.u32 @p2 s5;
	p2 =	sne.s32 s8, $0x32  }
.Ltmp1:
0xf: {  	_ = 	snop;
	(pc) =	sbr.rel @!p2 .LBB1_8-.Ltmp1, $4  }
0x10: {  	s14 =	simm.s32 @!p1 $0x2  }
0x11: {  	s12 =	smov.u32 s10;
	_ =	swait.ge @!p1 [sflag:s14], $0x4000  }
0x12: {  	p0 =	por !p0, !p0;
	s11 =	smov.u32 s9;
	[sflag:s14] =	ssyncset.done @!p1 $0x0  }
0x13: {  	s9 =	smov.u32 s13;
	[sflag:s14] =	ssyncadd.s32 @!p1 $0xFFFFC000;
	s10 =	smov.u32 s15  }
.LBB1_1:
0x14: {  	p1 =	sgt.u32 s8, $0x2F  }
0x15: {  	s13 =	sxor.u32 @!p1 $0xFFFFFFFF, s8;
	s14 =	sshll.u32 @!p1 s10, $0xE  }
0x16: {  	s15 =	sshll.u32 @!p1 s9, $0x7;
	s13 =	sshll.u32 @!p1 s13, $0xE;
	s14 =	sadd.s32 @!p1 s3, s14  }
0x17: {  	s13 =	sand.u32 @!p1 $0x4000, s13;
	s14 =	sadd.s32 @!p1 s15, s14;
	s15 =	simm.s32 @!p1 $0x0  }
0x18: {  	[tilespmem:s13], [sflag:$0x1] =	stream.linear.gather @!p1 [hbm4b:s14+s15], $0x4000, $0x38;
	[tilespmem:$0x10000] =	vst v63  }
0x19: {  	p1 =	seq.s32 s8, $0x0  }
0x1a: {  	p2 =	seq.s32 @!p1 s8, $0x31  }
0x1b: {  	p1 =	por p1, p2  }
.Ltmp2:
0x1c: {  	_ = 	snop;
	(pc) =	sbr.rel @p1 .LBB1_7-.Ltmp2, $1  }
0x1d: {  	_ =	sdelay $0x3  }
0x1e: {  	s13 =	simm.s32 $0x1;
	_ =	swait.ge [sflag:s4], $0x4000;
	s16 =	sshll.u32 s8, $0xE  }
0x1f: {  	s13 =	simm.s32 @!p0 $0x0;
	[sflag:s4] =	ssyncset.done $0x0;
	s31 =	sand.u32 $0x4000, s16  }
0x20: {  	s16 =	simm.s32 $0x0;
	s14 =	sshll.u32 s13, $0xE;
	[sflag:s4] =	ssyncadd.s32 $0xFFFFC000  }
0x21: {  	s13 =	sor.u32 $0x8040, s14;
	s15 =	sor.u32 $0x40, s14;
	s14 =	sor.u32 $0x8000, s31  }
.LBB1_3:
0x22: {  	v0 =	vmov s15;
	_ =	sdelay $0x3  }
0x23: {  	s18 =	simm.s32 $0x0  }
0x24: {  	v6 =	vld.idx.msk [tilespmem:v0+s18+$0x30 ss:$0x1], $0xffff  }
0x25: {  	v7 =	vld.idx.msk [tilespmem:v0+s18+$0xFFFFFFC0 ss:$0x1], $0xffff  }
0x26: {  	v5 =	vld.idx.msk [tilespmem:v0+s18+$0xFFFFFFD0 ss:$0x1], $0xffff  }
0x27: {  	v4 =	vld.idx.msk [tilespmem:v0+s18+$0xFFFFFFE0 ss:$0x1], $0xffff  }
0x28: {  	v3 =	vld.idx.msk [tilespmem:v0+s18+$0xFFFFFFF0 ss:$0x1], $0xffff  }
0x29: {  	v1 =	vld.idx.msk [tilespmem:v0+s18+$0x0 ss:$0x1], $0xffff  }
0x2a: {  	v2 =	vld.idx.msk [tilespmem:v0+s18+$0x10 ss:$0x1], $0xffff;
	[tilespmem:s13+$0x30] =	vst v6  }
0x2b: {  	s17 =	simm.s32 $0x80;
	s19 =	simm.s32 $0x400;
	[tilespmem:s13+$0xFFFFFFC0] =	vst v7;
	v6 =	vld.idx.msk [tilespmem:v0+s18+$0x20 ss:$0x1], $0xffff;
	s18 =	smov.u32 s13  }
.LBB1_4:
0x2c: {  	p1 =	sne.s32 s19, $0xE00;
	v7 =	vld.idx.msk [tilespmem:v0+s17+$0x30 ss:$0x1], $0xffff;
	[tilespmem:s18+$0xFFFFFFD0] =	vst v5  }
0x2d: {  	v8 =	vld.idx.msk [tilespmem:v0+s17+$0xFFFFFFC0 ss:$0x1], $0xffff;
	[tilespmem:s18+$0xFFFFFFE0] =	vst v4  }
0x2e: {  	v5 =	vld.idx.msk [tilespmem:v0+s17+$0xFFFFFFD0 ss:$0x1], $0xffff;
	[tilespmem:s18+$0xFFFFFFF0] =	vst v3  }
.Ltmp3:
0x2f: {  	v4 =	vld.idx.msk [tilespmem:v0+s17+$0xFFFFFFE0 ss:$0x1], $0xffff;
	[tilespmem:s18+$0x0] =	vst v1;
	(pc) =	sbr.rel @p1 .LBB1_4-.Ltmp3, $4  }
0x30: {  	v3 =	vld.idx.msk [tilespmem:v0+s17+$0xFFFFFFF0 ss:$0x1], $0xffff;
	[tilespmem:s18+$0x10] =	vst v2  }
0x31: {  	v1 =	vld.idx.msk [tilespmem:v0+s17+$0x0 ss:$0x1], $0xffff;
	[tilespmem:s18+$0x20] =	vst v6;
	s18 =	sadd.s32 $0x800, s18  }
0x32: {  	v2 =	vld.idx.msk [tilespmem:v0+s17+$0x10 ss:$0x1], $0xffff;
	[tilespmem:s18+$0x30] =	vst v7  }
0x33: {  	[tilespmem:s18+$0xFFFFFFC0] =	vst v8;
	v6 =	vld.idx.msk [tilespmem:v0+s17+$0x20 ss:$0x1], $0xffff;
	s17 =	sshra.s32 s19, $0x2;
	s19 =	sadd.s32 $0x200, s19  }
0x34: {  	_ =	sdelay $0x2  }
0x35: {  	[tilespmem:s18+$0xFFFFFFD0] =	vst v5  }
0x36: {  	v56 =	vld.idx.msk [tilespmem:v0+s17+$0x30 ss:$0x1], $0xffff;
	[tilespmem:s18+$0xFFFFFFE0] =	vst v4  }
0x37: {  	v57 =	vld.idx.msk [tilespmem:v0+s17+$0xFFFFFFC0 ss:$0x1], $0xffff;
	[tilespmem:s18+$0xFFFFFFF0] =	vst v3  }
0x38: {  	v58 =	vld.idx.msk [tilespmem:v0+s17+$0xFFFFFFD0 ss:$0x1], $0xffff;
	[tilespmem:s18+$0x0] =	vst v1  }
0x39: {  	v59 =	vld.idx.msk [tilespmem:v0+s17+$0xFFFFFFE0 ss:$0x1], $0xffff;
	[tilespmem:s18+$0x10] =	vst v2  }
0x3a: {  	v60 =	vld.idx.msk [tilespmem:v0+s17+$0xFFFFFFF0 ss:$0x1], $0xffff;
	s31 =	sadd.s32 $0x800, s18;
	[tilespmem:s18+$0x20] =	vst v6  }
0x3b: {  	v61 =	vld.idx.msk [tilespmem:v0+s17+$0x0 ss:$0x1], $0xffff;
	[tilespmem:s31+$0x30] =	vst v56  }
0x3c: {  	v62 =	vld.idx.msk [tilespmem:v0+s17+$0x10 ss:$0x1], $0xffff;
	s16 =	sadd.s32 $0x1, s16;
	[tilespmem:s31+$0xFFFFFFC0] =	vst v57  }
0x3d: {  	v63 =	vld.idx.msk [tilespmem:v0+s17+$0x20 ss:$0x1], $0xffff;
	p1 =	sne.s32 s16, $0x10;
	[tilespmem:s31+$0xFFFFFFD0] =	vst v58  }
.Ltmp4:
0x3e: {  	[tilespmem:s31+$0xFFFFFFE0] =	vst v59;
	(pc) =	sbr.rel @p1 .LBB1_3-.Ltmp4, $4  }
0x3f: {  	[tilespmem:s31+$0xFFFFFFF0] =	vst v60  }
0x40: {  	[tilespmem:s31+$0x0] =	vst v61  }
0x41: {  	[tilespmem:s31+$0x10] =	vst v62  }
0x42: {  	s13 =	sadd.s32 $0x80, s13;
	s15 =	sadd.s32 $0x400, s15;
	[tilespmem:s31+$0x20] =	vst v63  }
.Ltmp5:
0x43: {  	(pc) =	sbr.rel .LBB1_7-.Ltmp5, $4  }
0x44: {  	s12 =	sshll.u32 s12, $0xE;
	s11 =	sshll.u32 s11, $0x4  }
0x45: {  	s11 =	sand.u32 $0x7F0, s11;
	s12 =	sadd.s32 s2, s12  }
0x46: {  	s11 =	sadd.s32 s11, s12  }
0x47: {  	[hbm4b:s11+s6] =	stream.strided.scatter [tilespmem:s14], [sflag:$0x2], $0x4000, s7, s6, $0x38;
	[tilespmem:$0x10000] =	vst v63  }
.LBB1_8:
0x48: {  	_ =	sfence.sel $0x180000  }
0x49: {  	s2 =	simm.s32 $0x1;
	[bflag:$0x0] =	sbarrier.arrive $0xFFFF  }
0x4a: {  	s31 =	simm.s32 $0x2;
	[sflag:s2] =	ssyncpa.u1 $0x1  }
0x4b: {  	[sflag:s31] =	ssyncpa.u1 $0x1  }
0x4c: {  	p0 =	sne.s32 s1, $0x0;
	_ =	strace $0x90000047  }
0x4d: {  	s0 =	sadd.s32 @!p0 $0x100000, s0;
	[bflag:$0x2] =	sbarrier.arrive $0xFFFF  }
0x4e: {  	[sflag:s0] =	ssyncadd.tile.s32 @!p0 $0x1;
	_ =	shalt  }
.Lfunc_end1:
_tile_overlayer_lowered:
.L_overlay_start_2:
0x4f: {  	(tag) =	ssettag $0x2  }
0x50: {  	s0 =	rddreg [dreg:$0x0];
	s2 =	stileid.u32  }
0x51: {  	s1 =	rddreg [dreg:$0x1];
	p0 =	sne.s32 s2, $0x0  }
0x52: {  	s3 =	rddreg [dreg:$0x2];
	[bflag:$0x3] =	sbarrier.arrive $0xFFFF;
	s2 =	simm.s32 @!p0 $0x1C01  }
0x53: {  	[timem:s3], [sflag:s2] =	dma.local @!p0 [hbm:s0], s1  }
0x54: {  	s0 =	simm.s32 @!p0 $0x1  }
0x55: {  	_ =	swait.ge @!p0 [sflag:s0], s1  }
0x56: {  	s1 =	ssub.s32 @!p0 $0x0, s1;
	[sflag:s0] =	ssyncset.done @!p0 $0x0  }
0x57: {  	[sflag:s0] =	ssyncadd.s32 @!p0 s1  }
0x58: {  	[bflag:$0x3] =	sbarrier.arrive $0xFFFF  }
0x59: {  	_ =	shalt  }

</sc_bundles>
